<compile_context>
chip_gen: v7x
topology: tpu7x:2x2x1
jax: 0.10.2.dev20260603
libtpu: 0.0.44.dev20260713+nightly
codegen_flags: <defaults>
</compile_context>

<pallas_src>
import functools

import jax
import jax.numpy as jnp
from jax.experimental import pallas as pl
from jax.experimental.pallas import tpu as pltpu

B, N, D, L = 4, 2048, 32, 64


def _gumbel_noise(n):
    key = jax.random.key(42)
    U = jax.random.uniform(key, (B, n, n), dtype=jnp.float32)
    g = -jnp.log(-jnp.log(U + 1e-20) + 1e-20)
    zero_self = 1.0 - jnp.eye(n, dtype=jnp.float32)
    return g * zero_self[None, :, :]


def _leaky(x):
    return jnp.where(x >= 0, x, 0.01 * x)


def _y_kernel(u_ref, v_ref, bd_ref, noise_ref, y_ref):
    u = u_ref[0, 0, :]
    v = v_ref[0, 0, :]
    bd = bd_ref[0]
    l = _leaky(u[:, None] + v[None, :] + bd)
    m = jnp.max(l, axis=1, keepdims=True)
    s = jnp.sum(jnp.exp(l - m), axis=1, keepdims=True)
    y_ref[0] = l - m - jnp.log(s) + noise_ref[0]


def kernel(x, W_ip, b_ip, W_d, b_d, W_k1, b_k1, W_k2, b_k2, W_kp, b_kp, temp):
    n = x.shape[1]
    noise = _gumbel_noise(n)

    x_proj = jax.nn.softmax(_leaky(x @ W_ip + b_ip), axis=-1)
    u = (x_proj @ W_d[:L])[..., 0].reshape(B, 1, n)
    v = (x_proj @ W_d[L:])[..., 0].reshape(B, 1, n)

    BR = 256
    grid = (B, n // BR)
    y = pl.pallas_call(
        _y_kernel,
        grid=grid,
        in_specs=[
            pl.BlockSpec((1, 1, BR), lambda b, i: (b, 0, i)),
            pl.BlockSpec((1, 1, n), lambda b, i: (b, 0, 0)),
            pl.BlockSpec(memory_space=pltpu.SMEM),
            pl.BlockSpec((1, BR, n), lambda b, i: (b, i, 0)),
        ],
        out_specs=pl.BlockSpec((1, BR, n), lambda b, i: (b, i, 0)),
        out_shape=jax.ShapeDtypeStruct((B, n, n), jnp.float32),
    )(u, v, b_d, noise)

    h = jax.nn.relu(x @ W_k1 + b_k1)
    mu = h @ W_k2 + b_k2
    k = mu @ W_kp + b_kp

    sorted_log_p = jnp.sort(y, axis=-1)
    idxs = jnp.argsort(y, axis=-1)
    t = (jnp.arange(n, dtype=jnp.float32) / n * 2.0 - 1.0)[None, None, :]
    w = 0.001
    first_k = 1.0 + jnp.tanh((t + k) / w)
    first_k_log_prob = sorted_log_p * first_k
    first_k_prob = jax.nn.softmax(first_k_log_prob / temp, axis=-1)
    bb = jnp.arange(x.shape[0])[:, None, None]
    nn = jnp.arange(n)[None, :, None]
    adj = jnp.zeros_like(first_k_prob).at[bb, nn, idxs].set(first_k_prob)
    return adj, k

# --- scband reference (transcript-rebuilt; emitter-appended) ---
"""Pipeline reference for scband-dgg-learnable-k-old-47536698032966 (READ-ONLY COPY).

The authoritative reference and input builder live on the scoring server;
editing this copy changes nothing except your own understanding.
"""

import jax, jax.numpy as jnp
import numpy as np

B, N, D, L = 4, 2048, 32, 64

def setup_inputs(seed: int = 0) -> dict:
    key = jax.random.key(seed)
    ks = jax.random.split(key, 12)
    s = 0.05
    inp = {}
    inp['x'] = jax.random.normal(ks[0], (B, N, D), dtype=jnp.float32)
    # input_project: Linear(in_dim, latent_dim)
    inp['W_ip'] = jax.random.normal(ks[1], (D, L), dtype=jnp.float32) * s
    inp['b_ip'] = jnp.zeros((L,), dtype=jnp.float32)
    # distance: Linear(2*latent_dim, 1)
    inp['W_d'] = jax.random.normal(ks[2], (2 * L, 1), dtype=jnp.float32) * s
    inp['b_d'] = jnp.zeros((1,), dtype=jnp.float32)
    # k_net (LearnableKEncoder, in_dim=D, latent=L): k_mu = Linear(D,L)->ReLU->Linear(L,L); k_project = Linear(L,1)
    inp['W_k1'] = jax.random.normal(ks[3], (D, L), dtype=jnp.float32) * s
    inp['b_k1'] = jnp.zeros((L,), dtype=jnp.float32)
    inp['W_k2'] = jax.random.normal(ks[4], (L, L), dtype=jnp.float32) * s
    inp['b_k2'] = jnp.zeros((L,), dtype=jnp.float32)
    inp['W_kp'] = jax.random.normal(ks[5], (L, 1), dtype=jnp.float32) * s
    inp['b_kp'] = jnp.zeros((1,), dtype=jnp.float32)
    inp['temp'] = 1
    return inp

def _gumbel(key, shape, eps=1e-20):
    U = jax.random.uniform(key, shape, dtype=jnp.float32)
    return -jnp.log(-jnp.log(U + eps) + eps)

def reference(x, W_ip, b_ip, W_d, b_d, W_k1, b_k1, W_k2, b_k2, W_kp, b_kp, temp):
    leaky = lambda v: jax.nn.leaky_relu(v, 0.01)
    n = x.shape[1]
    # input_project + softmax
    x_proj = jax.nn.softmax(leaky(x @ W_ip + b_ip), axis=-1)  # [B,N,L]
    # distance MLP on concat(x_i, x_j): Linear(2L,1) decomposed to avoid NxNx2L tensor
    u = x_proj @ W_d[:L]  # [B,N,1]
    v = x_proj @ W_d[L:]  # [B,N,1]
    logits = leaky(u[:, :, None, 0] + v[:, None, :, 0] + b_d[0])  # [B,N,N]
    log_p = jax.nn.log_softmax(logits, axis=-1)
    # gumbel perturbation with zeroed self-loop noise
    nkey = jax.random.key(42)
    zero_self = 1.0 - jnp.eye(n, dtype=jnp.float32)
    noise = _gumbel(nkey, log_p.shape) * zero_self[None, :, :]
    y = log_p + noise
    # sort ascending
    sorted_log_p = jnp.sort(y, axis=-1)
    idxs = jnp.argsort(y, axis=-1)
    # k estimate from raw x
    h = jax.nn.relu(x @ W_k1 + b_k1)
    mu = h @ W_k2 + b_k2
    k = mu @ W_kp + b_kp  # [B,N,1]
    # select_top_k
    t = (jnp.arange(n, dtype=jnp.float32) / n * 2.0 - 1.0)[None, None, :]
    w = 0.001
    first_k = 1.0 + jnp.tanh((t + k) / w)  # [B,N,N]
    first_k_log_prob = sorted_log_p * first_k
    first_k_prob = jax.nn.softmax(first_k_log_prob / temp, axis=-1)
    # scatter back to original column order along last dim
    bb = jnp.arange(x.shape[0])[:, None, None]
    nn = jnp.arange(n)[None, :, None]
    adj = jnp.zeros_like(first_k_prob).at[bb, nn, idxs].set(first_k_prob)
    return adj, k

if __name__ == "__main__":
    import jax
    _d = setup_inputs()
    print(jax.jit(kernel)(*tuple(_d.values())))

</pallas_src>

<mosaic_0001>
module attributes {stable_mosaic.version = 14 : i64} {
  func.func @_y_kernel(%arg0: i32, %arg1: i32, %arg2: memref<1x1x256xf32, #tpu.memory_space<vmem>>, %arg3: memref<1x1x2048xf32, #tpu.memory_space<vmem>>, %arg4: memref<1xf32, #tpu.memory_space<smem>>, %arg5: memref<1x256x2048xf32, #tpu.memory_space<vmem>>, %arg6: memref<1x256x2048xf32, #tpu.memory_space<vmem>>) attributes {dimension_semantics = [#tpu.dimension_semantics<arbitrary>, #tpu.dimension_semantics<arbitrary>], iteration_bounds = array<i64: 4, 8>, scalar_prefetch = 0 : i64, scratch_operands = 0 : i64, tpu.core_type = #tpu.core_type<tc>, window_params = [{transform_indices = @transform_0, window_bounds = array<i64: 1, 1, 256>}, {transform_indices = @transform_1, window_bounds = array<i64: 1, 1, 2048>}, {transform_indices = @transform_2, window_bounds = array<i64: 1>}, {transform_indices = @transform_3, window_bounds = array<i64: 1, 256, 2048>}, {transform_indices = @transform_4, window_bounds = array<i64: 1, 256, 2048>}]} {
    %get3A = arith.constant 0 : index
    %get3A_0 = arith.constant 0 : index
    %get3A_1 = arith.constant 0 : index
    %get3A_2 = vector.load %arg2[%get3A, %get3A_0, %get3A_1] : memref<1x1x256xf32, #tpu.memory_space<vmem>>, vector<1x1x256xf32>
    %get3A_3 = vector.shape_cast %get3A_2 : vector<1x1x256xf32> to vector<256xf32>
    %get3A_4 = arith.constant 0 : index
    %get3A_5 = arith.constant 0 : index
    %get3A_6 = arith.constant 0 : index
    %get3A_7 = vector.load %arg3[%get3A_4, %get3A_5, %get3A_6] : memref<1x1x2048xf32, #tpu.memory_space<vmem>>, vector<1x1x2048xf32>
    %get3A_8 = vector.shape_cast %get3A_7 : vector<1x1x2048xf32> to vector<2048xf32>
    %get3A_9 = arith.constant 0 : index
    %get3A_10 = memref.load %arg4[%get3A_9] : memref<1xf32, #tpu.memory_space<smem>>
    %broadcast_in_dim3A = vector.shape_cast %get3A_3 : vector<256xf32> to vector<256x1xf32>
    %broadcast_in_dim3A_11 = vector.shape_cast %get3A_8 : vector<2048xf32> to vector<1x2048xf32>
    %add3A = vector.broadcast %broadcast_in_dim3A : vector<256x1xf32> to vector<256x2048xf32>
    %add3A_12 = vector.broadcast %broadcast_in_dim3A_11 : vector<1x2048xf32> to vector<256x2048xf32>
    %add3A_13 = arith.addf %add3A, %add3A_12 : vector<256x2048xf32>
    %add3A_14 = vector.broadcast %get3A_10 : f32 to vector<256x2048xf32>
    %add3A_15 = arith.addf %add3A_13, %add3A_14 : vector<256x2048xf32>
    %ge3A = arith.constant 0.000000e+00 : f32
    %ge3A_16 = vector.broadcast %ge3A : f32 to vector<256x2048xf32>
    %ge3A_17 = arith.cmpf oge, %add3A_15, %ge3A_16 : vector<256x2048xf32>
    %mul3A = arith.constant 0.00999999977 : f32
    %mul3A_18 = vector.broadcast %mul3A : f32 to vector<256x2048xf32>
    %mul3A_19 = arith.mulf %mul3A_18, %add3A_15 : vector<256x2048xf32>
    %select_n3A = arith.select %ge3A_17, %add3A_15, %mul3A_19 : vector<256x2048xi1>, vector<256x2048xf32>
    %reduce_max3A = arith.constant dense<0xFF800000> : vector<256xf32>
    %reduce_max3A_20 = vector.multi_reduction <maximumf>, %select_n3A, %reduce_max3A [1] : vector<256x2048xf32> to vector<256xf32>
    %broadcast_in_dim3A_21 = vector.shape_cast %reduce_max3A_20 : vector<256xf32> to vector<256x1xf32>
    %sub3A = vector.broadcast %broadcast_in_dim3A_21 : vector<256x1xf32> to vector<256x2048xf32>
    %sub3A_22 = arith.subf %select_n3A, %sub3A : vector<256x2048xf32>
    %exp3A = math.exp %sub3A_22 : vector<256x2048xf32>
    %reduce_sum3A = arith.constant dense<0.000000e+00> : vector<256xf32>
    %reduce_sum3A_23 = vector.multi_reduction <add>, %exp3A, %reduce_sum3A [1] : vector<256x2048xf32> to vector<256xf32>
    %broadcast_in_dim3A_24 = vector.shape_cast %reduce_sum3A_23 : vector<256xf32> to vector<256x1xf32>
    %sub3A_25 = vector.broadcast %broadcast_in_dim3A_21 : vector<256x1xf32> to vector<256x2048xf32>
    %sub3A_26 = arith.subf %select_n3A, %sub3A_25 : vector<256x2048xf32>
    %log3A = math.log %broadcast_in_dim3A_24 : vector<256x1xf32>
    %sub3A_27 = vector.broadcast %log3A : vector<256x1xf32> to vector<256x2048xf32>
    %sub3A_28 = arith.subf %sub3A_26, %sub3A_27 : vector<256x2048xf32>
    %get3A_29 = arith.constant 0 : index
    %get3A_30 = arith.constant 0 : index
    %get3A_31 = arith.constant 0 : index
    %get3A_32 = vector.load %arg5[%get3A_29, %get3A_30, %get3A_31] : memref<1x256x2048xf32, #tpu.memory_space<vmem>>, vector<1x256x2048xf32>
    %get3A_33 = vector.shape_cast %get3A_32 : vector<1x256x2048xf32> to vector<256x2048xf32>
    %add3A_34 = arith.addf %sub3A_28, %get3A_33 : vector<256x2048xf32>
    %swap3A = arith.constant 0 : index
    %swap3A_35 = arith.constant 0 : index
    %swap3A_36 = arith.constant 0 : index
    %swap3A_37 = vector.load %arg6[%swap3A, %swap3A_35, %swap3A_36] : memref<1x256x2048xf32, #tpu.memory_space<vmem>>, vector<1x256x2048xf32>
    %swap3A_38 = vector.shape_cast %swap3A_37 : vector<1x256x2048xf32> to vector<256x2048xf32>
    %swap3A_39 = vector.shape_cast %add3A_34 : vector<256x2048xf32> to vector<1x256x2048xf32>
    tpu.vector_store %arg6[%swap3A, %swap3A_35, %swap3A_36], %swap3A_39 {strides = array<i32>} : memref<1x256x2048xf32, #tpu.memory_space<vmem>>, vector<1x256x2048xf32>,
    return
  }
  func.func @transform_0(%arg0: i32, %arg1: i32) -> (i32, i32, i32) {
    %c0_i32 = arith.constant 0 : i32
    %c0_i32_0 = arith.constant 0 : i32
    return %arg0, %c0_i32, %arg1 : i32, i32, i32
  }
  func.func @transform_1(%arg0: i32, %arg1: i32) -> (i32, i32, i32) {
    %c0_i32 = arith.constant 0 : i32
    %c0_i32_0 = arith.constant 0 : i32
    %c0_i32_1 = arith.constant 0 : i32
    return %arg0, %c0_i32, %c0_i32_0 : i32, i32, i32
  }
  func.func @transform_2(%arg0: i32, %arg1: i32) -> i32 {
    %c0_i32 = arith.constant 0 : i32
    %c0_i32_0 = arith.constant 0 : i32
    return %c0_i32 : i32
  }
  func.func @transform_3(%arg0: i32, %arg1: i32) -> (i32, i32, i32) {
    %c0_i32 = arith.constant 0 : i32
    %c0_i32_0 = arith.constant 0 : i32
    return %arg0, %arg1, %c0_i32 : i32, i32, i32
  }
  func.func @transform_4(%arg0: i32, %arg1: i32) -> (i32, i32, i32) {
    %c0_i32 = arith.constant 0 : i32
    %c0_i32_0 = arith.constant 0 : i32
    return %arg0, %arg1, %c0_i32 : i32, i32, i32
  }
}

</mosaic_0001>

<sc_bundles>
// kernel: sparse-core-data-format-call.1.cloned.1.call-start
scs
called_computation.1_lowered:
.L_overlay_start_0:
0x0: {  	s1 =	sld [smem:$0x3FD9]  }
0x1: {  	s2 =	sld [smem:$0x3FFE];
	_ =	sdelay $0x1  }
0x2: {  	s3 =	srdreg.scid  }
0x3: {  	s0 =	sand.u32 $0x1, s3  }
0x4: {  	s17 =	sshll.u32 s0, $0xA;
	s1 =	sadd.s32 s2, s1  }
0x5: {  	s1 =	sadd.s32 s1, s17  }
0x6: {  	[smem:$0x3FBC] =	sst s1  }
0x7: {  	_ = 	snop  }
0x8: {  	(tm) =	ssettm $0x1  }
0x9: {  	s18 =	sld [smem:$0x3FFB];
	_ =	sdelay $0x3  }
0xa: {  	_ =	strace s18  }
0xb: {  	s1 =	sld [smem:$0x3FFC];
	_ =	sdelay $0x3  }
0xc: {  	_ =	strace s1  }
0xd: {  	s1 =	sld [smem:$0x3FFD];
	_ =	sdelay $0x3  }
0xe: {  	_ =	strace s1  }
0xf: {  	_ =	strace $0x8FFFFFFF  }
0x10: {  	s19 =	sld [smem:$0x3FDB];
	_ =	sdelay $0x1  }
0x11: {  	s20 =	simm.s32 $_scs_section_size  }
0x12: {  	s4 =	simm.s32 $_size__tile_overlayer_lowered;
	s5 =	simm.s32 $_tile_overlayer_lowered  }
0x13: {  	s23 =	simm.s32 $0x1BFF;
	s22 =	sshll.u32 s5, $0x1;
	s1 =	sadd.s32 s20, s19  }
0x14: {  	s6 =	simm.s32 $0x0;
	s21 =	sshll.u32 s4, $0x1;
	s4 =	sadd.s32 s22, s1  }
0x15: {  	[timem:s6], [sflag:s23] =	dma.local [hbm:s4], s21  }
0x16: {  	_ =	swait.ge [sflag:s23], s21  }
0x17: {  	s2 =	ssub.s32 $0x0, s21;
	[sflag:s23] =	ssyncset.done $0x0  }
0x18: {  	[sflag:s23] =	ssyncadd.s32 s2;
	_ =	sdelay $0x1  }
0x19: {  	s24 =	simm.s32 $0x1B8B  }
0x1a: {  	_ =	swait.ge [sflag:s24], $0x1  }
0x1b: {  	[sflag:s24] =	ssyncset.done $0x0  }
0x1c: {  	s26 =	simm.s32 $0x1B8E;
	s25 =	sld [smem:$0x3FFE];
	[sflag:s24] =	ssyncadd.s32 $0xFFFFFFFF  }
0x1d: {  	s27 =	simm.s32 $execute0_lowered;
	[smem:$0x3FD2] =	sst s26  }
0x1e: {  	s4 =	sshll.u32 s27, $0x1;
	_ =	strace $0x80000046;
	[dreg:$0x1] =	wrdreg $0xFFFFFFFF  }
0x1f: {  	s28 =	simm.s32 $_size_execute0_lowered;
	s1 =	sadd.s32 s1, s4;
	[dreg:$0x0] =	wrdreg $0x0  }
0x20: {  	s4 =	sshll.u32 s28, $0x1;
	[dreg:$0x2] =	wrdreg s1  }
0x21: {  	[dreg:$0x3] =	wrdreg s4  }
0x22: {  	[dreg:$0x4] =	wrdreg $0xC0  }
0x23: {  	_ =	task [dreg:s6], $0x5FFFF  }
0x24: {  	[dreg:$0x1] =	wrdreg $0xFFFFFFFF  }
0x25: {  	[dreg:$0x0] =	wrdreg $0x60  }
0x26: {  	[dreg:$0x2] =	wrdreg s25  }
0x27: {  	[dreg:$0x3] =	wrdreg $0xA  }
0x28: {  	_ =	task.clear_ibuf [dreg:s6], $0x4FFFF;
	_ =	strace $0x90000046  }
0x29: {  	s29 =	simm.s32 $0xA;
	_ =	strace $0x80000048  }
0x2a: {  	_ =	swait.ge [sflag:s29], $0x1  }
0x2b: {  	[sflag:s29] =	ssyncadd.s32 $0xFFFFFFFF  }
0x2c: {  	_ =	strace $0x90000048  }
0x2d: {  	_ =	sfence  }
0x2e: {  	s30 =	sld [smem:$0x0];
	_ =	sdelay $0x2  }
0x2f: {  	s31 =	sshll.u32 s3, $0xD;
	s3 =	sshrl.u32 s3, $0x2  }
0x30: {  	s2 =	sand.u32 $0x4000, s31;
	s1 =	sadd.s32 s3, s30  }
0x31: {  	s0 =	sor.u32 s2, s0;
	s1 =	sshll.u32 s1, $0x11  }
0x32: {  	s0 =	sor.u32 s1, s0  }
0x33: {  	s0 =	sadd.s32 $0x8F2B, s0  }
0x34: {  	[sflag:s0] =	ssyncadd.remote.s32 $0x1  }
0x35: {  	_ =	sfence.sel $0xFFFF  }
0x36: {  	[dreg:$0x0] =	wrdreg $0xFFFFFFFF;
	(pc) =	sbr.abs _section_cstart, $3  }
0x37: {  	[dreg:$0x1] =	wrdreg $0xFFFFFFFF  }
0x38: {  	_ =	task.clear_ibuf [dreg:s6], $0x2FFFF;
	_ =	strace $0x9FFFFFFF  }
0x39: {  	(tm) =	ssettm $0x7FFFFFFF  }
tec
execute0_lowered:
.L_overlay_start_1:
0x0: {  	(tag) =	ssettag $0x1  }
0x1: {  	s2 =	rddreg [dreg:$0x0]  }
0x2: {  	s0 =	rddreg [dreg:$0x1];
	_ =	strace $0x80000047;
	s4 =	srdreg.scid  }
.Ltmp0:
0x3: {  	s1 =	stileid.u32;
	s6 =	simm.s32 $0x2;
	(pc) =	sbr.rel .LBB1_1-.Ltmp0, $4  }
0x4: {  	p0 =	por $0x0, $0x0;
	s9 =	simm.s32 $0x0;
	s5 =	sshll.u32 s4, $0x4  }
0x5: {  	s7 =	simm.s32 $0x0;
	s4 =	simm.s32 $0x1;
	s5 =	sand.u32 $0x10, s5  }
0x6: {  	s3 =	sadd.s32 $0x600000, s2;
	[sflag:s4] =	ssyncpa.u1 $0x0;
	s5 =	sor.u32 s1, s5  }
0x7: {  	[sflag:s6] =	ssyncpa.u1 $0x0;
	s6 =	simm.s32 $0x0;
	s8 =	smov.u32 s5  }
.LBB1_7:
0x8: {  	s11 =	sadd.s32 $0x20, s8  }
0x9: {  	p1 =	slt.u32 s7, $0x2;
	s7 =	sadd.s32 $0x1, s7;
	p2 =	sgt.s32 s11, $0x3FF  }
0xa: {  	s11 =	smov.u32 @p2 s5;
	p2 =	sne.s32 s7, $0x22  }
.Ltmp1:
0xb: {  	_ = 	snop;
	(pc) =	sbr.rel @!p2 .LBB1_8-.Ltmp1, $4  }
0xc: {  	s10 =	simm.s32 @!p1 $0x2  }
0xd: {  	_ =	swait.ge @!p1 [sflag:s10], $0x4000  }
0xe: {  	s9 =	smov.u32 s8;
	[sflag:s10] =	ssyncset.done @!p1 $0x0  }
0xf: {  	p0 =	por !p0, !p0;
	s8 =	smov.u32 s11;
	[sflag:s10] =	ssyncadd.s32 @!p1 $0xFFFFC000  }
.LBB1_1:
0x10: {  	p1 =	sgt.u32 s7, $0x1F  }
0x11: {  	s10 =	sxor.u32 @!p1 $0xFFFFFFFF, s7  }
0x12: {  	s11 =	sshll.u32 @!p1 s8, $0xB;
	s10 =	sshll.u32 @!p1 s10, $0xE  }
0x13: {  	s12 =	simm.s32 @!p1 $0x0;
	s11 =	sadd.s32 @!p1 s3, s11;
	s10 =	sand.u32 @!p1 $0x4000, s10  }
0x14: {  	[tilespmem:s10], [sflag:$0x1] =	stream.linear.gather @!p1 [hbm4b:s11+s12], $0x4000, $0x38;
	[tilespmem:$0x10000] =	vst v63  }
0x15: {  	p1 =	seq.s32 s7, $0x0  }
0x16: {  	p2 =	seq.s32 @!p1 s7, $0x21  }
0x17: {  	p1 =	por p1, p2  }
.Ltmp2:
0x18: {  	_ = 	snop;
	(pc) =	sbr.rel @p1 .LBB1_7-.Ltmp2, $1  }
0x19: {  	_ =	sdelay $0x3  }
0x1a: {  	s10 =	simm.s32 $0x1;
	_ =	swait.ge [sflag:s4], $0x4000;
	s12 =	sshll.u32 s7, $0xE  }
0x1b: {  	s13 =	simm.s32 $0x0;
	s10 =	simm.s32 @!p0 $0x0;
	[sflag:s4] =	ssyncset.done $0x0  }
0x1c: {  	s12 =	sand.u32 $0x4000, s12;
	s11 =	sshll.u32 s10, $0xE;
	[sflag:s4] =	ssyncadd.s32 $0xFFFFC000  }
0x1d: {  	s12 =	sor.u32 $0x8000, s12;
	s10 =	sor.u32 $0x8040, s11;
	s11 =	sor.u32 $0x40, s11  }
.LBB1_3:
0x1e: {  	v0 =	vmov s11;
	_ =	sdelay $0x3  }
0x1f: {  	s15 =	simm.s32 $0x0  }
0x20: {  	v6 =	vld.idx.msk [tilespmem:v0+s15+$0x30 ss:$0x1], $0xffff  }
0x21: {  	v7 =	vld.idx.msk [tilespmem:v0+s15+$0xFFFFFFC0 ss:$0x1], $0xffff  }
0x22: {  	v5 =	vld.idx.msk [tilespmem:v0+s15+$0xFFFFFFD0 ss:$0x1], $0xffff  }
0x23: {  	v4 =	vld.idx.msk [tilespmem:v0+s15+$0xFFFFFFE0 ss:$0x1], $0xffff  }
0x24: {  	v3 =	vld.idx.msk [tilespmem:v0+s15+$0xFFFFFFF0 ss:$0x1], $0xffff  }
0x25: {  	v1 =	vld.idx.msk [tilespmem:v0+s15+$0x0 ss:$0x1], $0xffff  }
0x26: {  	v2 =	vld.idx.msk [tilespmem:v0+s15+$0x10 ss:$0x1], $0xffff;
	[tilespmem:s10+$0x30] =	vst v6  }
0x27: {  	s14 =	simm.s32 $0x80;
	s16 =	simm.s32 $0x400;
	[tilespmem:s10+$0xFFFFFFC0] =	vst v7;
	v6 =	vld.idx.msk [tilespmem:v0+s15+$0x20 ss:$0x1], $0xffff;
	s15 =	smov.u32 s10  }
.LBB1_4:
0x28: {  	p1 =	sne.s32 s16, $0xE00;
	v7 =	vld.idx.msk [tilespmem:v0+s14+$0x30 ss:$0x1], $0xffff;
	[tilespmem:s15+$0xFFFFFFD0] =	vst v5  }
0x29: {  	v8 =	vld.idx.msk [tilespmem:v0+s14+$0xFFFFFFC0 ss:$0x1], $0xffff;
	[tilespmem:s15+$0xFFFFFFE0] =	vst v4  }
0x2a: {  	v5 =	vld.idx.msk [tilespmem:v0+s14+$0xFFFFFFD0 ss:$0x1], $0xffff;
	[tilespmem:s15+$0xFFFFFFF0] =	vst v3  }
.Ltmp3:
0x2b: {  	v4 =	vld.idx.msk [tilespmem:v0+s14+$0xFFFFFFE0 ss:$0x1], $0xffff;
	[tilespmem:s15+$0x0] =	vst v1;
	(pc) =	sbr.rel @p1 .LBB1_4-.Ltmp3, $4  }
0x2c: {  	v3 =	vld.idx.msk [tilespmem:v0+s14+$0xFFFFFFF0 ss:$0x1], $0xffff;
	[tilespmem:s15+$0x10] =	vst v2  }
0x2d: {  	v1 =	vld.idx.msk [tilespmem:v0+s14+$0x0 ss:$0x1], $0xffff;
	[tilespmem:s15+$0x20] =	vst v6;
	s15 =	sadd.s32 $0x800, s15  }
0x2e: {  	v2 =	vld.idx.msk [tilespmem:v0+s14+$0x10 ss:$0x1], $0xffff;
	[tilespmem:s15+$0x30] =	vst v7  }
0x2f: {  	[tilespmem:s15+$0xFFFFFFC0] =	vst v8;
	v6 =	vld.idx.msk [tilespmem:v0+s14+$0x20 ss:$0x1], $0xffff;
	s14 =	sshra.s32 s16, $0x2;
	s16 =	sadd.s32 $0x200, s16  }
0x30: {  	_ =	sdelay $0x2  }
0x31: {  	[tilespmem:s15+$0xFFFFFFD0] =	vst v5  }
0x32: {  	v56 =	vld.idx.msk [tilespmem:v0+s14+$0x30 ss:$0x1], $0xffff;
	[tilespmem:s15+$0xFFFFFFE0] =	vst v4  }
0x33: {  	v57 =	vld.idx.msk [tilespmem:v0+s14+$0xFFFFFFC0 ss:$0x1], $0xffff;
	[tilespmem:s15+$0xFFFFFFF0] =	vst v3  }
0x34: {  	v58 =	vld.idx.msk [tilespmem:v0+s14+$0xFFFFFFD0 ss:$0x1], $0xffff;
	[tilespmem:s15+$0x0] =	vst v1  }
0x35: {  	v59 =	vld.idx.msk [tilespmem:v0+s14+$0xFFFFFFE0 ss:$0x1], $0xffff;
	[tilespmem:s15+$0x10] =	vst v2  }
0x36: {  	v60 =	vld.idx.msk [tilespmem:v0+s14+$0xFFFFFFF0 ss:$0x1], $0xffff;
	s31 =	sadd.s32 $0x800, s15;
	[tilespmem:s15+$0x20] =	vst v6  }
0x37: {  	v61 =	vld.idx.msk [tilespmem:v0+s14+$0x0 ss:$0x1], $0xffff;
	[tilespmem:s31+$0x30] =	vst v56  }
0x38: {  	v62 =	vld.idx.msk [tilespmem:v0+s14+$0x10 ss:$0x1], $0xffff;
	s13 =	sadd.s32 $0x1, s13;
	[tilespmem:s31+$0xFFFFFFC0] =	vst v57  }
0x39: {  	v63 =	vld.idx.msk [tilespmem:v0+s14+$0x20 ss:$0x1], $0xffff;
	p1 =	sne.s32 s13, $0x10;
	[tilespmem:s31+$0xFFFFFFD0] =	vst v58  }
.Ltmp4:
0x3a: {  	[tilespmem:s31+$0xFFFFFFE0] =	vst v59;
	(pc) =	sbr.rel @p1 .LBB1_3-.Ltmp4, $4  }
0x3b: {  	[tilespmem:s31+$0xFFFFFFF0] =	vst v60  }
0x3c: {  	[tilespmem:s31+$0x0] =	vst v61  }
0x3d: {  	[tilespmem:s31+$0x10] =	vst v62  }
0x3e: {  	s10 =	sadd.s32 $0x80, s10;
	s11 =	sadd.s32 $0x400, s11;
	[tilespmem:s31+$0x20] =	vst v63  }
.Ltmp5:
0x3f: {  	(pc) =	sbr.rel .LBB1_7-.Ltmp5, $4  }
0x40: {  	_ = 	snop  }
0x41: {  	s9 =	sshll.u32 s9, $0xB  }
0x42: {  	s9 =	sadd.s32 s2, s9  }
0x43: {  	[hbm4b:s9+s6] =	stream.linear.scatter [tilespmem:s12], [sflag:$0x2], $0x4000, $0x38;
	[tilespmem:$0x10000] =	vst v63  }
.LBB1_8:
0x44: {  	_ =	sfence.sel $0x180000  }
0x45: {  	s2 =	simm.s32 $0x1;
	[bflag:$0x0] =	sbarrier.arrive $0xFFFF  }
0x46: {  	s31 =	simm.s32 $0x2;
	[sflag:s2] =	ssyncpa.u1 $0x1  }
0x47: {  	[sflag:s31] =	ssyncpa.u1 $0x1  }
0x48: {  	p0 =	sne.s32 s1, $0x0;
	_ =	strace $0x90000047  }
0x49: {  	s0 =	sadd.s32 @!p0 $0x100000, s0;
	[bflag:$0x2] =	sbarrier.arrive $0xFFFF  }
0x4a: {  	[sflag:s0] =	ssyncadd.tile.s32 @!p0 $0x1;
	_ =	shalt  }
.Lfunc_end1:
_tile_overlayer_lowered:
.L_overlay_start_2:
0x4b: {  	(tag) =	ssettag $0x2  }
0x4c: {  	s0 =	rddreg [dreg:$0x0];
	s2 =	stileid.u32  }
0x4d: {  	s1 =	rddreg [dreg:$0x1];
	p0 =	sne.s32 s2, $0x0  }
0x4e: {  	s3 =	rddreg [dreg:$0x2];
	[bflag:$0x3] =	sbarrier.arrive $0xFFFF;
	s2 =	simm.s32 @!p0 $0x1C01  }
0x4f: {  	[timem:s3], [sflag:s2] =	dma.local @!p0 [hbm:s0], s1  }
0x50: {  	s0 =	simm.s32 @!p0 $0x1  }
0x51: {  	_ =	swait.ge @!p0 [sflag:s0], s1  }
0x52: {  	s1 =	ssub.s32 @!p0 $0x0, s1;
	[sflag:s0] =	ssyncset.done @!p0 $0x0  }
0x53: {  	[sflag:s0] =	ssyncadd.s32 @!p0 s1  }
0x54: {  	[bflag:$0x3] =	sbarrier.arrive $0xFFFF  }
0x55: {  	_ =	shalt  }

// kernel: sparse-core-data-format-call.cloned.1.call-start
scs
called_computation_lowered:
.L_overlay_start_0:
0x0: {  	s2 =	sld [smem:$0x3FD9]  }
0x1: {  	s3 =	sld [smem:$0x3FFE];
	_ =	sdelay $0x1  }
0x2: {  	s1 =	srdreg.scid  }
0x3: {  	s0 =	sand.u32 $0x1, s1  }
0x4: {  	s16 =	sshll.u32 s0, $0xA;
	s2 =	sadd.s32 s3, s2  }
0x5: {  	s2 =	sadd.s32 s2, s16  }
0x6: {  	[smem:$0x3FBC] =	sst s2  }
0x7: {  	_ = 	snop  }
0x8: {  	s2 =	sld [smem:$0x3FD0];
	_ =	sdelay $0x2  }
0x9: {  	s17 =	simm.s32 $0xB;
	s4 =	simm.s32 $0x10  }
0xa: {  	[smem:s4], [sflag:s17] =	dma.local [hbm:s2], $0x1  }
0xb: {  	_ =	swait.eq [sflag:s17], $0x1  }
0xc: {  	[sflag:s17] =	ssyncset.done $0x0  }
0xd: {  	[sflag:s17] =	ssyncadd.s32 $0xFFFFFFFF  }
0xe: {  	s18 =	sld [smem:$0x10];
	(tm) =	ssettm $0x1  }
0xf: {  	s19 =	sld [smem:$0x3FFB];
	_ =	sdelay $0x3  }
0x10: {  	_ =	strace s19  }
0x11: {  	s2 =	sld [smem:$0x3FFC];
	_ =	sdelay $0x3  }
0x12: {  	_ =	strace s2  }
0x13: {  	s2 =	sld [smem:$0x3FFD];
	_ =	sdelay $0x3  }
0x14: {  	_ =	strace s2  }
0x15: {  	_ =	strace $0x8FFFFFFF  }
0x16: {  	s20 =	sld [smem:$0x3FDB];
	_ =	sdelay $0x1  }
0x17: {  	s21 =	simm.s32 $_scs_section_size  }
0x18: {  	s5 =	simm.s32 $_size__tile_overlayer_lowered;
	s6 =	simm.s32 $_tile_overlayer_lowered  }
0x19: {  	s7 =	simm.s32 $0x1BFF;
	s22 =	sshll.u32 s6, $0x1;
	s4 =	sadd.s32 s21, s20  }
0x1a: {  	s23 =	simm.s32 $0x0;
	s5 =	sshll.u32 s5, $0x1;
	s6 =	sadd.s32 s22, s4  }
0x1b: {  	[timem:s23], [sflag:s7] =	dma.local [hbm:s6], s5  }
0x1c: {  	_ =	swait.ge [sflag:s7], s5  }
0x1d: {  	s5 =	ssub.s32 $0x0, s5;
	[sflag:s7] =	ssyncset.done $0x0  }
0x1e: {  	[sflag:s7] =	ssyncadd.s32 s5;
	_ =	sdelay $0x1  }
0x1f: {  	s24 =	simm.s32 $0x1B8B  }
0x20: {  	_ =	swait.ge [sflag:s24], $0x1  }
0x21: {  	[sflag:s24] =	ssyncset.done $0x0  }
0x22: {  	[sflag:s24] =	ssyncadd.s32 $0xFFFFFFFF  }
0x23: {  	s5 =	sld [smem:$0x0]  }
0x24: {  	s6 =	sand.u32 $0xFFFFFFFE, s1  }
0x25: {  	p0 =	sne.s32 s1, s6  }
0x26: {  	s6 =	sshll.u32 @p0 s6, $0xE  }
0x27: {  	s6 =	sadd.s32 @p0 $0x11B8D, s6;
	s7 =	sshll.u32 @p0 s5, $0x11  }
0x28: {  	s6 =	sor.u32 @p0 s7, s6  }
0x29: {  	[sflag:s6] =	ssyncadd.remote.s32 @p0 $0x1;
	_ =	sdelay $0x1  }
0x2a: {  	s6 =	simm.s32 @p0 $0x1B8D  }
0x2b: {  	_ =	swait.eq @p0 [sflag:s6], $0x1  }
0x2c: {  	[sflag:s6] =	ssyncadd.s32 @p0 $0xFFFFFFFF  }
0x2d: {  	s7 =	sshll.u32 @!p0 s1, $0xE  }
0x2e: {  	s7 =	sor.u32 @!p0 $0x4000, s7;
	s6 =	simm.s32 @!p0 $0x1B8D  }
0x2f: {  	s5 =	sshll.u32 @!p0 s5, $0x11;
	s7 =	sadd.s32 @!p0 $0x11B8D, s7;
	_ =	swait.eq @!p0 [sflag:s6], $0x1  }
0x30: {  	s5 =	sor.u32 @!p0 s5, s7;
	[sflag:s6] =	ssyncadd.s32 @!p0 $0xFFFFFFFF  }
0x31: {  	s26 =	simm.s32 $0x1B8E;
	s25 =	sld [smem:$0x3FFE];
	[sflag:s5] =	ssyncadd.remote.s32 @!p0 $0x1  }
0x32: {  	s27 =	simm.s32 $execute0_lowered;
	[smem:$0x3FD2] =	sst s26  }
0x33: {  	s6 =	sshll.u32 s27, $0x1;
	_ =	strace $0x80000049;
	[dreg:$0x1] =	wrdreg $0xFFFFFFFF  }
0x34: {  	s28 =	simm.s32 $_size_execute0_lowered;
	s4 =	sadd.s32 s4, s6;
	[dreg:$0x0] =	wrdreg $0x0  }
0x35: {  	s6 =	sshll.u32 s28, $0x1;
	[dreg:$0x2] =	wrdreg s4  }
0x36: {  	[dreg:$0x3] =	wrdreg s6  }
0x37: {  	[dreg:$0x4] =	wrdreg $0xC0  }
0x38: {  	_ =	task [dreg:s23], $0x5FFFF  }
0x39: {  	[dreg:$0x1] =	wrdreg $0xFFFFFFFF  }
0x3a: {  	[dreg:$0x0] =	wrdreg $0x60  }
0x3b: {  	[dreg:$0x2] =	wrdreg s18  }
0x3c: {  	[dreg:$0x3] =	wrdreg s25  }
0x3d: {  	[dreg:$0x4] =	wrdreg $0x9  }
0x3e: {  	_ =	task.clear_ibuf [dreg:s23], $0x5FFFF;
	_ =	strace $0x90000049  }
0x3f: {  	s29 =	simm.s32 $0x9;
	_ =	strace $0x8000004B  }
0x40: {  	_ =	swait.ge [sflag:s29], $0x1  }
0x41: {  	[sflag:s29] =	ssyncadd.s32 $0xFFFFFFFF  }
0x42: {  	_ =	strace $0x9000004B  }
0x43: {  	_ =	sfence  }
0x44: {  	s30 =	sld [smem:$0x0];
	_ =	sdelay $0x2  }
0x45: {  	s31 =	sshll.u32 s1, $0xD;
	s1 =	sshrl.u32 s1, $0x2  }
0x46: {  	s4 =	sand.u32 $0x4000, s31;
	s1 =	sadd.s32 s1, s30  }
0x47: {  	s0 =	sor.u32 s4, s0;
	s1 =	sshll.u32 s1, $0x11  }
0x48: {  	s0 =	sor.u32 s1, s0  }
0x49: {  	s0 =	sadd.s32 $0x8F2B, s0  }
0x4a: {  	[sflag:s0] =	ssyncadd.remote.s32 $0x1  }
0x4b: {  	_ =	sfence.sel $0xFFFF  }
0x4c: {  	[dreg:$0x0] =	wrdreg $0xFFFFFFFF;
	(pc) =	sbr.abs _section_cstart, $3  }
0x4d: {  	[dreg:$0x1] =	wrdreg $0xFFFFFFFF  }
0x4e: {  	_ =	task.clear_ibuf [dreg:s23], $0x2FFFF;
	_ =	strace $0x9FFFFFFF  }
0x4f: {  	(tm) =	ssettm $0x7FFFFFFF  }
tec
execute0_lowered:
.L_overlay_start_1:
0x0: {  	(tag) =	ssettag $0x1  }
0x1: {  	s2 =	rddreg [dreg:$0x0]  }
0x2: {  	s1 =	rddreg [dreg:$0x1]  }
0x3: {  	s0 =	rddreg [dreg:$0x2];
	_ =	strace $0x8000004A;
	s4 =	srdreg.scid  }
.Ltmp0:
0x4: {  	s6 =	simm.s32 $0x2;
	p0 =	por $0x0, $0x0;
	(pc) =	sbr.rel .LBB1_1-.Ltmp0, $4  }
0x5: {  	s9 =	simm.s32 $0x0;
	s3 =	sadd.s32 $0x200000, s1;
	s5 =	sshll.u32 s4, $0x4  }
0x6: {  	s1 =	stileid.u32;
	s4 =	simm.s32 $0x1;
	s5 =	sand.u32 $0x10, s5  }
0x7: {  	s7 =	simm.s32 $0x0;
	[sflag:s4] =	ssyncpa.u1 $0x0;
	s5 =	sor.u32 s1, s5  }
0x8: {  	[sflag:s6] =	ssyncpa.u1 $0x0;
	s6 =	simm.s32 $0x0;
	s8 =	smov.u32 s5  }
.LBB1_7:
0x9: {  	s11 =	sadd.s32 $0x20, s8  }
0xa: {  	p1 =	slt.u32 s7, $0x2;
	s7 =	sadd.s32 $0x1, s7;
	p2 =	sgt.s32 s11, $0x3FF  }
0xb: {  	s11 =	smov.u32 @p2 s5;
	p2 =	sne.s32 s7, $0x22  }
.Ltmp1:
0xc: {  	_ = 	snop;
	(pc) =	sbr.rel @!p2 .LBB1_8-.Ltmp1, $4  }
0xd: {  	s10 =	simm.s32 @!p1 $0x2  }
0xe: {  	_ =	swait.ge @!p1 [sflag:s10], $0x4000  }
0xf: {  	s9 =	smov.u32 s8;
	[sflag:s10] =	ssyncset.done @!p1 $0x0  }
0x10: {  	p0 =	por !p0, !p0;
	s8 =	smov.u32 s11;
	[sflag:s10] =	ssyncadd.s32 @!p1 $0xFFFFC000  }
.LBB1_1:
0x11: {  	p1 =	sgt.u32 s7, $0x1F  }
0x12: {  	s10 =	sxor.u32 @!p1 $0xFFFFFFFF, s7  }
0x13: {  	s11 =	sshll.u32 @!p1 s8, $0xB;
	s10 =	sshll.u32 @!p1 s10, $0xE  }
0x14: {  	s12 =	simm.s32 @!p1 $0x0;
	s11 =	sadd.s32 @!p1 s2, s11;
	s10 =	sand.u32 @!p1 $0x4000, s10  }
0x15: {  	[tilespmem:s10], [sflag:$0x1] =	stream.linear.gather @!p1 [hbm4b:s11+s12], $0x4000, $0x38;
	[tilespmem:$0x10000] =	vst v63  }
0x16: {  	p1 =	seq.s32 s7, $0x0  }
0x17: {  	p2 =	seq.s32 @!p1 s7, $0x21  }
0x18: {  	p1 =	por p1, p2  }
.Ltmp2:
0x19: {  	_ = 	snop;
	(pc) =	sbr.rel @p1 .LBB1_7-.Ltmp2, $1  }
0x1a: {  	_ =	sdelay $0x3  }
0x1b: {  	s10 =	simm.s32 $0x1;
	_ =	swait.ge [sflag:s4], $0x4000;
	s12 =	sshll.u32 s7, $0xE  }
0x1c: {  	s13 =	simm.s32 $0x0;
	s10 =	simm.s32 @!p0 $0x0;
	[sflag:s4] =	ssyncset.done $0x0  }
0x1d: {  	s12 =	sand.u32 $0x4000, s12;
	s11 =	sshll.u32 s10, $0xE;
	[sflag:s4] =	ssyncadd.s32 $0xFFFFC000  }
0x1e: {  	s12 =	sor.u32 $0x8000, s12;
	s10 =	sor.u32 $0x8040, s11;
	s11 =	sor.u32 $0x40, s11  }
.LBB1_3:
0x1f: {  	v0 =	vmov s11;
	_ =	sdelay $0x3  }
0x20: {  	s15 =	simm.s32 $0x0  }
0x21: {  	v6 =	vld.idx.msk [tilespmem:v0+s15+$0x30 ss:$0x1], $0xffff  }
0x22: {  	v7 =	vld.idx.msk [tilespmem:v0+s15+$0xFFFFFFC0 ss:$0x1], $0xffff  }
0x23: {  	v5 =	vld.idx.msk [tilespmem:v0+s15+$0xFFFFFFD0 ss:$0x1], $0xffff  }
0x24: {  	v4 =	vld.idx.msk [tilespmem:v0+s15+$0xFFFFFFE0 ss:$0x1], $0xffff  }
0x25: {  	v3 =	vld.idx.msk [tilespmem:v0+s15+$0xFFFFFFF0 ss:$0x1], $0xffff  }
0x26: {  	v1 =	vld.idx.msk [tilespmem:v0+s15+$0x0 ss:$0x1], $0xffff  }
0x27: {  	v2 =	vld.idx.msk [tilespmem:v0+s15+$0x10 ss:$0x1], $0xffff;
	[tilespmem:s10+$0x30] =	vst v6  }
0x28: {  	s14 =	simm.s32 $0x80;
	s16 =	simm.s32 $0x400;
	[tilespmem:s10+$0xFFFFFFC0] =	vst v7;
	v6 =	vld.idx.msk [tilespmem:v0+s15+$0x20 ss:$0x1], $0xffff;
	s15 =	smov.u32 s10  }
.LBB1_4:
0x29: {  	p1 =	sne.s32 s16, $0xE00;
	v7 =	vld.idx.msk [tilespmem:v0+s14+$0x30 ss:$0x1], $0xffff;
	[tilespmem:s15+$0xFFFFFFD0] =	vst v5  }
0x2a: {  	v8 =	vld.idx.msk [tilespmem:v0+s14+$0xFFFFFFC0 ss:$0x1], $0xffff;
	[tilespmem:s15+$0xFFFFFFE0] =	vst v4  }
0x2b: {  	v5 =	vld.idx.msk [tilespmem:v0+s14+$0xFFFFFFD0 ss:$0x1], $0xffff;
	[tilespmem:s15+$0xFFFFFFF0] =	vst v3  }
.Ltmp3:
0x2c: {  	v4 =	vld.idx.msk [tilespmem:v0+s14+$0xFFFFFFE0 ss:$0x1], $0xffff;
	[tilespmem:s15+$0x0] =	vst v1;
	(pc) =	sbr.rel @p1 .LBB1_4-.Ltmp3, $4  }
0x2d: {  	v3 =	vld.idx.msk [tilespmem:v0+s14+$0xFFFFFFF0 ss:$0x1], $0xffff;
	[tilespmem:s15+$0x10] =	vst v2  }
0x2e: {  	v1 =	vld.idx.msk [tilespmem:v0+s14+$0x0 ss:$0x1], $0xffff;
	[tilespmem:s15+$0x20] =	vst v6;
	s15 =	sadd.s32 $0x800, s15  }
0x2f: {  	v2 =	vld.idx.msk [tilespmem:v0+s14+$0x10 ss:$0x1], $0xffff;
	[tilespmem:s15+$0x30] =	vst v7  }
0x30: {  	[tilespmem:s15+$0xFFFFFFC0] =	vst v8;
	v6 =	vld.idx.msk [tilespmem:v0+s14+$0x20 ss:$0x1], $0xffff;
	s14 =	sshra.s32 s16, $0x2;
	s16 =	sadd.s32 $0x200, s16  }
0x31: {  	_ =	sdelay $0x2  }
0x32: {  	[tilespmem:s15+$0xFFFFFFD0] =	vst v5  }
0x33: {  	v56 =	vld.idx.msk [tilespmem:v0+s14+$0x30 ss:$0x1], $0xffff;
	[tilespmem:s15+$0xFFFFFFE0] =	vst v4  }
0x34: {  	v57 =	vld.idx.msk [tilespmem:v0+s14+$0xFFFFFFC0 ss:$0x1], $0xffff;
	[tilespmem:s15+$0xFFFFFFF0] =	vst v3  }
0x35: {  	v58 =	vld.idx.msk [tilespmem:v0+s14+$0xFFFFFFD0 ss:$0x1], $0xffff;
	[tilespmem:s15+$0x0] =	vst v1  }
0x36: {  	v59 =	vld.idx.msk [tilespmem:v0+s14+$0xFFFFFFE0 ss:$0x1], $0xffff;
	[tilespmem:s15+$0x10] =	vst v2  }
0x37: {  	v60 =	vld.idx.msk [tilespmem:v0+s14+$0xFFFFFFF0 ss:$0x1], $0xffff;
	s31 =	sadd.s32 $0x800, s15;
	[tilespmem:s15+$0x20] =	vst v6  }
0x38: {  	v61 =	vld.idx.msk [tilespmem:v0+s14+$0x0 ss:$0x1], $0xffff;
	[tilespmem:s31+$0x30] =	vst v56  }
0x39: {  	v62 =	vld.idx.msk [tilespmem:v0+s14+$0x10 ss:$0x1], $0xffff;
	s13 =	sadd.s32 $0x1, s13;
	[tilespmem:s31+$0xFFFFFFC0] =	vst v57  }
0x3a: {  	v63 =	vld.idx.msk [tilespmem:v0+s14+$0x20 ss:$0x1], $0xffff;
	p1 =	sne.s32 s13, $0x10;
	[tilespmem:s31+$0xFFFFFFD0] =	vst v58  }
.Ltmp4:
0x3b: {  	[tilespmem:s31+$0xFFFFFFE0] =	vst v59;
	(pc) =	sbr.rel @p1 .LBB1_3-.Ltmp4, $4  }
0x3c: {  	[tilespmem:s31+$0xFFFFFFF0] =	vst v60  }
0x3d: {  	[tilespmem:s31+$0x0] =	vst v61  }
0x3e: {  	[tilespmem:s31+$0x10] =	vst v62  }
0x3f: {  	s10 =	sadd.s32 $0x80, s10;
	s11 =	sadd.s32 $0x400, s11;
	[tilespmem:s31+$0x20] =	vst v63  }
.Ltmp5:
0x40: {  	(pc) =	sbr.rel .LBB1_7-.Ltmp5, $4  }
0x41: {  	_ = 	snop  }
0x42: {  	s9 =	sshll.u32 s9, $0xB  }
0x43: {  	s9 =	sadd.s32 s3, s9  }
0x44: {  	[hbm4b:s9+s6] =	stream.linear.scatter [tilespmem:s12], [sflag:$0x2], $0x4000, $0x38;
	[tilespmem:$0x10000] =	vst v63  }
.LBB1_8:
0x45: {  	_ =	sfence.sel $0x180000  }
0x46: {  	s2 =	simm.s32 $0x1;
	[bflag:$0x0] =	sbarrier.arrive $0xFFFF  }
0x47: {  	s31 =	simm.s32 $0x2;
	[sflag:s2] =	ssyncpa.u1 $0x1  }
0x48: {  	[sflag:s31] =	ssyncpa.u1 $0x1  }
0x49: {  	p0 =	sne.s32 s1, $0x0;
	_ =	strace $0x9000004A  }
0x4a: {  	s0 =	sadd.s32 @!p0 $0x100000, s0;
	[bflag:$0x2] =	sbarrier.arrive $0xFFFF  }
0x4b: {  	[sflag:s0] =	ssyncadd.tile.s32 @!p0 $0x1;
	_ =	shalt  }
.Lfunc_end1:
_tile_overlayer_lowered:
.L_overlay_start_2:
0x4c: {  	(tag) =	ssettag $0x2  }
0x4d: {  	s0 =	rddreg [dreg:$0x0];
	s2 =	stileid.u32  }
0x4e: {  	s1 =	rddreg [dreg:$0x1];
	p0 =	sne.s32 s2, $0x0  }
0x4f: {  	s3 =	rddreg [dreg:$0x2];
	[bflag:$0x3] =	sbarrier.arrive $0xFFFF;
	s2 =	simm.s32 @!p0 $0x1C01  }
0x50: {  	[timem:s3], [sflag:s2] =	dma.local @!p0 [hbm:s0], s1  }
0x51: {  	s0 =	simm.s32 @!p0 $0x1  }
0x52: {  	_ =	swait.ge @!p0 [sflag:s0], s1  }
0x53: {  	s1 =	ssub.s32 @!p0 $0x0, s1;
	[sflag:s0] =	ssyncset.done @!p0 $0x0  }
0x54: {  	[sflag:s0] =	ssyncadd.s32 @!p0 s1  }
0x55: {  	[bflag:$0x3] =	sbarrier.arrive $0xFFFF  }
0x56: {  	_ =	shalt  }

</sc_bundles>
